<compile_context>
chip_gen: v7x
topology: tpu7x:2x2x1
jax: 0.10.2.dev20260603
libtpu: 0.0.44.dev20260713+nightly
codegen_flags: <defaults>
</compile_context>

<pallas_src>
import functools

import jax
import jax.numpy as jnp
from jax import lax
from jax.experimental import pallas as pl
from jax.experimental.pallas import tpu as pltpu
from jax.experimental.pallas import tpu_sc as plsc

PLACEHOLDER = -1
TINY = float(jnp.finfo(jnp.float32).tiny)
LANES = 16


def _sc_gather_body(V, tok_hbm, tl_hbm, dp_hbm, tltok_hbm, dptok_hbm,
                    tok_v, idx_v, val_v, sem):
    c = lax.axis_index("c")
    s = lax.axis_index("s")
    wid = s * 2 + c
    g = wid % 16
    base = g * LANES
    pltpu.sync_copy(tok_hbm.at[pl.ds(base, LANES)], tok_v)
    rows = base + lax.broadcasted_iota(jnp.int32, (LANES,), 0)
    idx_v[...] = rows * V + tok_v[...]

    @pl.when(wid < 16)
    def _():
        cp = pltpu.make_async_copy(tl_hbm.at[idx_v], val_v, sem)
        cp.start()
        cp.wait()
        pltpu.sync_copy(val_v, tltok_hbm.at[pl.ds(base, LANES)])

    @pl.when(wid >= 16)
    def _():
        cp = pltpu.make_async_copy(dp_hbm.at[idx_v], val_v, sem)
        cp.start()
        cp.wait()
        pltpu.sync_copy(val_v, dptok_hbm.at[pl.ds(base, LANES)])


def _sc_gather(tok_flat, tl_flat, dp_flat, V):
    mesh = plsc.VectorSubcoreMesh(core_axis_name="c", subcore_axis_name="s",
                                  num_cores=2, num_subcores=16)
    f = pl.kernel(
        functools.partial(_sc_gather_body, V),
        out_type=(jax.ShapeDtypeStruct(tok_flat.shape, jnp.float32),
                  jax.ShapeDtypeStruct(tok_flat.shape, jnp.float32)),
        mesh=mesh,
        scratch_types=[
            pltpu.VMEM((LANES,), jnp.int32),
            pltpu.VMEM((LANES,), jnp.int32),
            pltpu.VMEM((LANES,), jnp.float32),
            pltpu.SemaphoreType.DMA,
        ],
    )
    return f(tok_flat, tl_flat, dp_flat)


def _tc_body(temp_s, tok_s, bonus_s, tl_ref, dp_hbm, q_ref, tltok_ref,
             dptok_ref, u_ref, out_ref, dp_row, sem_d):
    _, LS, VS = tl_ref.shape
    SUB = 8
    L = LS // SUB
    V = SUB * VS
    b = pl.program_id(0)
    temp = temp_s[b]
    xg = tl_ref[0].reshape(L, SUB, VS)
    scaled = xg / temp
    m2 = jnp.max(scaled, axis=2)
    m = jnp.max(m2, axis=1, keepdims=True)
    e = jnp.exp(scaled - m.reshape(L, 1, 1))
    s2 = jnp.sum(e, axis=2)
    s = jnp.sum(s2, axis=1, keepdims=True)

    tltok_col = tltok_ref[b]
    dptok_col = dptok_ref[b]
    tp_tok = jnp.exp(tltok_col / temp - m) / s
    u_col = u_ref[b]
    accept = (tp_tok / dptok_col) >= u_col
    iota8 = jax.lax.broadcasted_iota(jnp.int32, (L, 1), 0)
    n = jnp.min(jnp.where(accept, L, iota8))
    r = jnp.minimum(n, L - 1)

    cpd = pltpu.make_async_copy(dp_hbm.at[b, pl.ds(r * SUB, SUB), :],
                                dp_row, sem_d)
    cpd.start()
    m_r = jnp.sum(jnp.where(iota8 == r, m, 0.0))
    s_r = jnp.sum(jnp.where(iota8 == r, s, 0.0))
    tl_r = tl_ref[0, pl.ds(r * SUB, SUB), :]
    e_r = jnp.exp(tl_r / temp - m_r)
    cpd.wait()
    dp_r = dp_row[...]
    padj = jnp.maximum(e_r / s_r - dp_r, TINY)
    S = jnp.sum(padj)
    q = q_ref[0]
    ratio = (padj / S) / q
    mx = jnp.max(ratio)
    iota_flat = (jax.lax.broadcasted_iota(jnp.int32, (SUB, VS), 0) * VS
                 + jax.lax.broadcasted_iota(jnp.int32, (SUB, VS), 1))
    rec_at = jnp.min(jnp.where(ratio == mx, iota_flat, V))

    fill = jnp.where(n < L, rec_at, bonus_s[b]).astype(jnp.int32)
    for j in range(L + 1):
        tok_j = tok_s[b, j] if j < L else jnp.int32(0)
        v = jnp.where(j < n, tok_j,
                      jnp.where(j == n, fill, jnp.int32(PLACEHOLDER)))
        out_ref[b, j] = v.astype(jnp.int32)


def kernel(draft_token_ids, cu_num_draft_tokens, draft_probs, target_logits,
           bonus_token_ids, temperature, uniform_probs, q_exp):
    B, L = draft_token_ids.shape
    V = target_logits.shape[-1]
    tok_flat = draft_token_ids.reshape(B * L)
    tl_flat = target_logits.reshape(B * L * V)
    dp_flat = draft_probs.reshape(B * L * V)
    tltok, dptok = _sc_gather(tok_flat, tl_flat, dp_flat, V)

    SUB = 8
    VS = V // SUB
    q4 = q_exp.reshape(B, SUB, VS)
    tl5 = target_logits.reshape(B, L * SUB, VS)
    dp5 = draft_probs.reshape(B, L * SUB, VS)
    u3 = uniform_probs.reshape(B, L, 1)
    tltok3 = tltok.reshape(B, L, 1)
    dptok3 = dptok.reshape(B, L, 1)

    out = pl.pallas_call(
        _tc_body,
        grid=(B,),
        in_specs=[
            pl.BlockSpec(memory_space=pltpu.SMEM),
            pl.BlockSpec(memory_space=pltpu.SMEM),
            pl.BlockSpec(memory_space=pltpu.SMEM),
            pl.BlockSpec((1, L * SUB, VS), lambda b: (b, 0, 0)),
            pl.BlockSpec(memory_space=pltpu.MemorySpace.HBM),
            pl.BlockSpec((1, SUB, VS), lambda b: (b, 0, 0)),
            pl.BlockSpec((B, L, 1), lambda b: (0, 0, 0)),
            pl.BlockSpec((B, L, 1), lambda b: (0, 0, 0)),
            pl.BlockSpec((B, L, 1), lambda b: (0, 0, 0)),
        ],
        out_specs=pl.BlockSpec(memory_space=pltpu.SMEM),
        out_shape=jax.ShapeDtypeStruct((B, L + 1), jnp.int32),
        scratch_shapes=[
            pltpu.VMEM((SUB, VS), jnp.float32),
            pltpu.SemaphoreType.DMA,
        ],
        compiler_params=pltpu.CompilerParams(
            dimension_semantics=("arbitrary",)),
    )(temperature, draft_token_ids, bonus_token_ids,
      tl5, dp5, q4, tltok3, dptok3, u3)
    return out

# --- scband reference (transcript-rebuilt; emitter-appended) ---
"""Pipeline reference for scband-rejection-sampler-65524021068008 (READ-ONLY COPY).

The authoritative reference and input builder live on the scoring server;
editing this copy changes nothing except your own understanding.
"""

import jax, jax.numpy as jnp
import numpy as np

PLACEHOLDER_TOKEN_ID = -1


def setup_inputs(seed: int = 0) -> dict:
    key = jax.random.key(seed)
    B, L, V = 32, 8, 100000
    ks = jax.random.split(key, 8)
    draft_token_ids = jax.random.randint(ks[0], (B, L), 0, V, dtype=jnp.int32)
    cu_num_draft_tokens = (jnp.arange(B, dtype=jnp.int32) + 1) * L
    draft_logits = jax.random.normal(ks[1], (B, L, V), dtype=jnp.float32)
    draft_probs = jax.nn.softmax(draft_logits, axis=-1)
    target_logits = jax.random.normal(ks[2], (B * L, V), dtype=jnp.float32)
    bonus_token_ids = jax.random.randint(ks[3], (B,), 0, V, dtype=jnp.int32)
    temperature = jax.random.uniform(ks[4], (B,), minval=0.5, maxval=1.5, dtype=jnp.float32)
    uniform_probs = jax.random.uniform(ks[5], (B, L), minval=1e-6, maxval=1.0, dtype=jnp.float32)
    q_exp = jax.random.exponential(ks[6], (B, V)).astype(jnp.float32)
    return {
        "draft_token_ids": draft_token_ids,
        "cu_num_draft_tokens": cu_num_draft_tokens,
        "draft_probs": draft_probs,
        "target_logits": target_logits,
        "bonus_token_ids": bonus_token_ids,
        "temperature": temperature,
        "uniform_probs": uniform_probs,
        "q_exp": q_exp,
    }


def reference(draft_token_ids, cu_num_draft_tokens, draft_probs, target_logits,
              bonus_token_ids, temperature, uniform_probs, q_exp):
    B, L = draft_token_ids.shape
    V = target_logits.shape[-1]
    # compute_probs: per-request temperature-scaled softmax over target logits
    temps = jnp.repeat(temperature, L)  # [B*L], request temp broadcast over its draft positions
    target_probs = jax.nn.softmax(target_logits / temps[:, None], axis=-1).reshape(B, L, V)
    # acceptance test: target_prob(token) / draft_prob(token) >= uniform
    tok = draft_token_ids
    tp = jnp.take_along_axis(target_probs, tok[..., None], axis=2)[..., 0]  # [B, L]
    dp = jnp.take_along_axis(draft_probs, tok[..., None], axis=2)[..., 0]   # [B, L]
    accept = (tp / dp) >= uniform_probs  # [B, L]
    acc_prefix = jnp.cumprod(accept.astype(jnp.int32), axis=1)
    num_acc = acc_prefix.sum(axis=1)  # [B] number of accepted draft tokens before first rejection
    # recovered tokens: sample from normalized clamp(target - draft) via exponential race
    tiny = jnp.finfo(jnp.float32).tiny
    probs_adj = jnp.maximum(target_probs - draft_probs, tiny)
    probs_adj = probs_adj / probs_adj.sum(axis=-1, keepdims=True)
    recovered = jnp.argmax(probs_adj / q_exp[:, None, :], axis=-1).astype(jnp.int32)  # [B, L]
    # assemble output token ids [B, L+1]
    pos = jnp.arange(L + 1, dtype=jnp.int32)[None, :]
    n = num_acc[:, None].astype(jnp.int32)
    rec_idx = jnp.minimum(num_acc, L - 1)
    rec_at = recovered[jnp.arange(B), rec_idx]  # [B] recovered token at rejection position
    draft_ext = jnp.concatenate([tok, jnp.zeros((B, 1), dtype=tok.dtype)], axis=1)  # [B, L+1]
    fill_at_n = jnp.where(n < L, rec_at[:, None], bonus_token_ids[:, None].astype(jnp.int32))
    out = jnp.where(pos < n, draft_ext,
                    jnp.where(pos == n, fill_at_n,
                              jnp.full((B, L + 1), PLACEHOLDER_TOKEN_ID, dtype=jnp.int32)))
    return out

if __name__ == "__main__":
    import jax
    _d = setup_inputs()
    print(jax.jit(kernel)(*tuple(_d.values())))

</pallas_src>

<mosaic_0001>
#map = affine_map<(d0, d1) -> (0)>
module attributes {stable_mosaic.version = 14 : i64} {
  func.func @_sc_gather_body(%arg0: i32, %arg1: i32, %arg2: memref<256xi32, #tpu.memory_space<hbm>>, %arg3: memref<25600000xf32, #tpu.memory_space<hbm>>, %arg4: memref<25600000xf32, #tpu.memory_space<hbm>>, %arg5: memref<256xf32, #tpu.memory_space<hbm>>, %arg6: memref<256xf32, #tpu.memory_space<hbm>>, %arg7: memref<16xi32, #tpu.memory_space<vmem>>, %arg8: memref<16xi32, #tpu.memory_space<vmem>>, %arg9: memref<16xf32, #tpu.memory_space<vmem>>, %arg10: memref<!tpu.dma_semaphore, #tpu.memory_space<semaphore_mem>>) attributes {dimension_semantics = [#tpu.dimension_semantics<core_parallel>, #tpu.dimension_semantics<subcore_parallel>], iteration_bounds = array<i64: 2, 16>, scalar_prefetch = 0 : i64, scratch_operands = 4 : i64, tpu.core_type = #tpu.core_type<sc_vector_subcore>, window_params = [{transform_indices = #map}, {transform_indices = #map}, {transform_indices = #map}, {transform_indices = #map}, {transform_indices = #map}]} {
    %mul3A = arith.constant 2 : i32
    %mul3A_0 = arith.muli %arg1, %mul3A : i32
    %add3A = arith.addi %mul3A_0, %arg0 : i32
    %jit3A = arith.constant 16 : i32
    %eq3A = arith.constant 0 : i32
    %eq3A_1 = arith.cmpi eq, %jit3A, %eq3A : i32
    %jit3A_2 = arith.constant 1 : i32
    %select_n3A = arith.select %eq3A_1, %jit3A_2, %jit3A : i32
    %rem3A = arith.remsi %add3A, %select_n3A : i32
    %ne3A = arith.constant 0 : i32
    %ne3A_3 = arith.cmpi ne, %rem3A, %ne3A : i32
    %lt3A = arith.constant 0 : i32
    %lt3A_4 = arith.cmpi slt, %rem3A, %lt3A : i32
    %lt3A_5 = arith.constant 0 : i32
    %lt3A_6 = arith.cmpi slt, %select_n3A, %lt3A_5 : i32
    %ne3A_7 = arith.xori %lt3A_4, %lt3A_6 : i1
    %and3A = arith.andi %ne3A_7, %ne3A_3 : i1
    %add3A_8 = arith.addi %rem3A, %select_n3A : i32
    %select_n3A_9 = arith.select %and3A, %add3A_8, %rem3A : i32
    %mul3A_10 = arith.constant 16 : i32
    %mul3A_11 = arith.muli %select_n3A_9, %mul3A_10 : i32
    "tpu.region"() ({
      %run_scoped3A = tpu.sem_alloc : memref<!tpu.dma_semaphore, #tpu.memory_space<semaphore_mem>>
      %dma_start3A = tpu.memref_slice %arg2[%mul3A_11] : memref<256xi32, #tpu.memory_space<hbm>> -> memref<16xi32, #tpu.memory_space<hbm>>
      %dma_start3A_30 = tpu.memref_slice %arg2[%mul3A_11] : memref<256xi32, #tpu.memory_space<hbm>> -> memref<16xi32, #tpu.memory_space<hbm>>
      tpu.enqueue_dma source(%dma_start3A_30 : memref<16xi32, #tpu.memory_space<hbm>>) target(%arg7 : memref<16xi32, #tpu.memory_space<vmem>>) target_semaphore(%run_scoped3A : memref<!tpu.dma_semaphore, #tpu.memory_space<semaphore_mem>>)
      %dma_wait3A = tpu.memref_slice %arg2[%mul3A_11] : memref<256xi32, #tpu.memory_space<hbm>> -> memref<16xi32, #tpu.memory_space<hbm>>
      %dma_wait3A_31 = tpu.memref_slice %arg2[%mul3A_11] : memref<256xi32, #tpu.memory_space<hbm>> -> memref<16xi32, #tpu.memory_space<hbm>>
      tpu.wait_dma2 semaphore(%run_scoped3A : memref<!tpu.dma_semaphore, #tpu.memory_space<semaphore_mem>>) src(%dma_wait3A_31 : memref<16xi32, #tpu.memory_space<hbm>>) dst(%arg7 : memref<16xi32, #tpu.memory_space<vmem>>)
      tpu.yield
    }) : () -> ()
    %iota3A = tpu.iota {dimensions = array<i32: 0>} : vector<16xi32>
    %add3A_12 = vector.broadcast %mul3A_11 : i32 to vector<16xi32>
    %add3A_13 = arith.addi %add3A_12, %iota3A : vector<16xi32>
    %mul3A_14 = arith.constant 100000 : i32
    %mul3A_15 = vector.broadcast %mul3A_14 : i32 to vector<16xi32>
    %mul3A_16 = arith.muli %add3A_13, %mul3A_15 : vector<16xi32>
    %get3A = arith.constant 0 : index
    %get3A_17 = tpu.vector_load %arg7[%get3A] {strides = array<i32>} : memref<16xi32, #tpu.memory_space<vmem>>, vector<16xi32>,
    %get3A_18 = vector.shape_cast %get3A_17 : vector<16xi32> to vector<16xi32>
    %add3A_19 = arith.addi %mul3A_16, %get3A_18 : vector<16xi32>
    %swap3A = arith.constant 0 : index
    %swap3A_20 = tpu.vector_load %arg8[%swap3A] {strides = array<i32>} : memref<16xi32, #tpu.memory_space<vmem>>, vector<16xi32>,
    %swap3A_21 = vector.shape_cast %swap3A_20 : vector<16xi32> to vector<16xi32>
    %swap3A_22 = vector.shape_cast %add3A_19 : vector<16xi32> to vector<16xi32>
    tpu.vector_store %arg8[%swap3A], %swap3A_22 {strides = array<i32>} : memref<16xi32, #tpu.memory_space<vmem>>, vector<16xi32>,
    %lt3A_23 = arith.constant 16 : i32
    %lt3A_24 = arith.cmpi slt, %add3A, %lt3A_23 : i32
    %convert_element_type3A = arith.extui %lt3A_24 : i1 to i32
    %cond3A = arith.constant 0 : i32
    %cond3A_25 = arith.cmpi ne, %convert_element_type3A, %cond3A : i32
    scf.if %cond3A_25 {
      %dma_start3A = arith.constant 0 : i32
      %dma_start3A_30 = tpu.memref_slice %arg3[%dma_start3A] : memref<25600000xf32, #tpu.memory_space<hbm>> -> memref<25600000xf32, #tpu.memory_space<hbm>>
      tpu.enqueue_indirect_dma source(%dma_start3A_30 : memref<25600000xf32, #tpu.memory_space<hbm>>) target(%arg9 : memref<16xf32, #tpu.memory_space<vmem>>) offsets(%arg8 : memref<16xi32, #tpu.memory_space<vmem>>) semaphore(%arg10 : memref<!tpu.dma_semaphore, #tpu.memory_space<semaphore_mem>>)
      %dma_wait3A = arith.constant 0 : i32
      %dma_wait3A_31 = tpu.memref_slice %arg3[%dma_wait3A] : memref<25600000xf32, #tpu.memory_space<hbm>> -> memref<25600000xf32, #tpu.memory_space<hbm>>
      tpu.wait_indirect_dma semaphore(%arg10 : memref<!tpu.dma_semaphore, #tpu.memory_space<semaphore_mem>>) src(%dma_wait3A_31 : memref<25600000xf32, #tpu.memory_space<hbm>>) dst(%arg9 : memref<16xf32, #tpu.memory_space<vmem>>)
      "tpu.region"() ({
        %run_scoped3A = tpu.sem_alloc : memref<!tpu.dma_semaphore, #tpu.memory_space<semaphore_mem>>
        %dma_start3A_32 = tpu.memref_slice %arg5[%mul3A_11] : memref<256xf32, #tpu.memory_space<hbm>> -> memref<16xf32, #tpu.memory_space<hbm>>
        %dma_start3A_33 = tpu.memref_slice %arg5[%mul3A_11] : memref<256xf32, #tpu.memory_space<hbm>> -> memref<16xf32, #tpu.memory_space<hbm>>
        tpu.enqueue_dma source(%arg9 : memref<16xf32, #tpu.memory_space<vmem>>) target(%dma_start3A_33 : memref<16xf32, #tpu.memory_space<hbm>>) target_semaphore(%run_scoped3A : memref<!tpu.dma_semaphore, #tpu.memory_space<semaphore_mem>>)
        %dma_wait3A_34 = tpu.memref_slice %arg5[%mul3A_11] : memref<256xf32, #tpu.memory_space<hbm>> -> memref<16xf32, #tpu.memory_space<hbm>>
        %dma_wait3A_35 = tpu.memref_slice %arg5[%mul3A_11] : memref<256xf32, #tpu.memory_space<hbm>> -> memref<16xf32, #tpu.memory_space<hbm>>
        tpu.wait_dma2 semaphore(%run_scoped3A : memref<!tpu.dma_semaphore, #tpu.memory_space<semaphore_mem>>) src(%arg9 : memref<16xf32, #tpu.memory_space<vmem>>) dst(%dma_wait3A_35 : memref<16xf32, #tpu.memory_space<hbm>>)
        tpu.yield
      }) : () -> ()
    } else {
    }
    %ge3A = arith.constant 16 : i32
    %ge3A_26 = arith.cmpi sge, %add3A, %ge3A : i32
    %convert_element_type3A_27 = arith.extui %ge3A_26 : i1 to i32
    %cond3A_28 = arith.constant 0 : i32
    %cond3A_29 = arith.cmpi ne, %convert_element_type3A_27, %cond3A_28 : i32
    scf.if %cond3A_29 {
      %dma_start3A = arith.constant 0 : i32
      %dma_start3A_30 = tpu.memref_slice %arg4[%dma_start3A] : memref<25600000xf32, #tpu.memory_space<hbm>> -> memref<25600000xf32, #tpu.memory_space<hbm>>
      tpu.enqueue_indirect_dma source(%dma_start3A_30 : memref<25600000xf32, #tpu.memory_space<hbm>>) target(%arg9 : memref<16xf32, #tpu.memory_space<vmem>>) offsets(%arg8 : memref<16xi32, #tpu.memory_space<vmem>>) semaphore(%arg10 : memref<!tpu.dma_semaphore, #tpu.memory_space<semaphore_mem>>)
      %dma_wait3A = arith.constant 0 : i32
      %dma_wait3A_31 = tpu.memref_slice %arg4[%dma_wait3A] : memref<25600000xf32, #tpu.memory_space<hbm>> -> memref<25600000xf32, #tpu.memory_space<hbm>>
      tpu.wait_indirect_dma semaphore(%arg10 : memref<!tpu.dma_semaphore, #tpu.memory_space<semaphore_mem>>) src(%dma_wait3A_31 : memref<25600000xf32, #tpu.memory_space<hbm>>) dst(%arg9 : memref<16xf32, #tpu.memory_space<vmem>>)
      "tpu.region"() ({
        %run_scoped3A = tpu.sem_alloc : memref<!tpu.dma_semaphore, #tpu.memory_space<semaphore_mem>>
        %dma_start3A_32 = tpu.memref_slice %arg6[%mul3A_11] : memref<256xf32, #tpu.memory_space<hbm>> -> memref<16xf32, #tpu.memory_space<hbm>>
        %dma_start3A_33 = tpu.memref_slice %arg6[%mul3A_11] : memref<256xf32, #tpu.memory_space<hbm>> -> memref<16xf32, #tpu.memory_space<hbm>>
        tpu.enqueue_dma source(%arg9 : memref<16xf32, #tpu.memory_space<vmem>>) target(%dma_start3A_33 : memref<16xf32, #tpu.memory_space<hbm>>) target_semaphore(%run_scoped3A : memref<!tpu.dma_semaphore, #tpu.memory_space<semaphore_mem>>)
        %dma_wait3A_34 = tpu.memref_slice %arg6[%mul3A_11] : memref<256xf32, #tpu.memory_space<hbm>> -> memref<16xf32, #tpu.memory_space<hbm>>
        %dma_wait3A_35 = tpu.memref_slice %arg6[%mul3A_11] : memref<256xf32, #tpu.memory_space<hbm>> -> memref<16xf32, #tpu.memory_space<hbm>>
        tpu.wait_dma2 semaphore(%run_scoped3A : memref<!tpu.dma_semaphore, #tpu.memory_space<semaphore_mem>>) src(%arg9 : memref<16xf32, #tpu.memory_space<vmem>>) dst(%dma_wait3A_35 : memref<16xf32, #tpu.memory_space<hbm>>)
        tpu.yield
      }) : () -> ()
    } else {
    }
    return
  }
}

module attributes {stable_mosaic.version = 14 : i64} {
  func.func @_tc_body(%arg0: i32, %arg1: memref<32xf32, #tpu.memory_space<smem>>, %arg2: memref<32x8xi32, #tpu.memory_space<smem>>, %arg3: memref<32xi32, #tpu.memory_space<smem>>, %arg4: memref<1x64x12500xf32, #tpu.memory_space<vmem>>, %arg5: memref<32x64x12500xf32, #tpu.memory_space<hbm>>, %arg6: memref<1x8x12500xf32, #tpu.memory_space<vmem>>, %arg7: memref<32x8x1xf32, #tpu.memory_space<vmem>>, %arg8: memref<32x8x1xf32, #tpu.memory_space<vmem>>, %arg9: memref<32x8x1xf32, #tpu.memory_space<vmem>>, %arg10: memref<32x9xi32, #tpu.memory_space<smem>>, %arg11: memref<8x12500xf32, #tpu.memory_space<vmem>>, %arg12: memref<!tpu.dma_semaphore, #tpu.memory_space<semaphore_mem>>) attributes {dimension_semantics = [#tpu.dimension_semantics<arbitrary>], iteration_bounds = array<i64: 32>, scalar_prefetch = 0 : i64, scratch_operands = 2 : i64, tpu.core_type = #tpu.core_type<tc>, window_params = [{transform_indices = @transform_0, window_bounds = array<i64: 32>}, {transform_indices = @transform_1, window_bounds = array<i64: 32, 8>}, {transform_indices = @transform_2, window_bounds = array<i64: 32>}, {transform_indices = @transform_3, window_bounds = array<i64: 1, 64, 12500>}, {}, {transform_indices = @transform_5, window_bounds = array<i64: 1, 8, 12500>}, {pipeline_mode = #tpu.pipeline_mode<synchronous>, transform_indices = @transform_6, window_bounds = array<i64: 32, 8, 1>}, {pipeline_mode = #tpu.pipeline_mode<synchronous>, transform_indices = @transform_7, window_bounds = array<i64: 32, 8, 1>}, {pipeline_mode = #tpu.pipeline_mode<synchronous>, transform_indices = @transform_8, window_bounds = array<i64: 32, 8, 1>}, {transform_indices = @transform_9, window_bounds = array<i64: 32, 9>}]} {
    %get3A = arith.index_cast %arg0 : i32 to index
    %get3A_0 = memref.load %arg1[%get3A] : memref<32xf32, #tpu.memory_space<smem>>
    %get3A_1 = arith.constant 0 : index
    %get3A_2 = arith.constant 0 : index
    %get3A_3 = arith.constant 0 : index
    %get3A_4 = vector.load %arg4[%get3A_1, %get3A_2, %get3A_3] : memref<1x64x12500xf32, #tpu.memory_space<vmem>>, vector<1x64x12500xf32>
    %get3A_5 = vector.shape_cast %get3A_4 : vector<1x64x12500xf32> to vector<64x12500xf32>
    %reshape3A = vector.shape_cast %get3A_5 : vector<64x12500xf32> to vector<8x8x12500xf32>
    %div3A = vector.broadcast %get3A_0 : f32 to vector<8x8x12500xf32>
    %div3A_6 = arith.divf %reshape3A, %div3A : vector<8x8x12500xf32>
    %reduce_max3A = arith.constant dense<0xFF800000> : vector<8x8xf32>
    %reduce_max3A_7 = vector.multi_reduction <maximumf>, %div3A_6, %reduce_max3A [2] : vector<8x8x12500xf32> to vector<8x8xf32>
    %reduce_max3A_8 = arith.constant dense<0xFF800000> : vector<8xf32>
    %reduce_max3A_9 = vector.multi_reduction <maximumf>, %reduce_max3A_7, %reduce_max3A_8 [1] : vector<8x8xf32> to vector<8xf32>
    %broadcast_in_dim3A = vector.shape_cast %reduce_max3A_9 : vector<8xf32> to vector<8x1xf32>
    %reshape3A_10 = vector.shape_cast %broadcast_in_dim3A : vector<8x1xf32> to vector<8x1x1xf32>
    %sub3A = vector.broadcast %reshape3A_10 : vector<8x1x1xf32> to vector<8x8x12500xf32>
    %sub3A_11 = arith.subf %div3A_6, %sub3A : vector<8x8x12500xf32>
    %exp3A = math.exp %sub3A_11 : vector<8x8x12500xf32>
    %reduce_sum3A = arith.constant dense<0.000000e+00> : vector<8x8xf32>
    %reduce_sum3A_12 = vector.multi_reduction <add>, %exp3A, %reduce_sum3A [2] : vector<8x8x12500xf32> to vector<8x8xf32>
    %reduce_sum3A_13 = arith.constant dense<0.000000e+00> : vector<8xf32>
    %reduce_sum3A_14 = vector.multi_reduction <add>, %reduce_sum3A_12, %reduce_sum3A_13 [1] : vector<8x8xf32> to vector<8xf32>
    %broadcast_in_dim3A_15 = vector.shape_cast %reduce_sum3A_14 : vector<8xf32> to vector<8x1xf32>
    %get3A_16 = arith.index_cast %arg0 : i32 to index
    %get3A_17 = arith.constant 0 : index
    %get3A_18 = arith.constant 0 : index
    %get3A_19 = vector.load %arg7[%get3A_16, %get3A_17, %get3A_18] : memref<32x8x1xf32, #tpu.memory_space<vmem>>, vector<1x8x1xf32>
    %get3A_20 = vector.shape_cast %get3A_19 : vector<1x8x1xf32> to vector<8x1xf32>
    %get3A_21 = arith.index_cast %arg0 : i32 to index
    %get3A_22 = arith.constant 0 : index
    %get3A_23 = arith.constant 0 : index
    %get3A_24 = vector.load %arg8[%get3A_21, %get3A_22, %get3A_23] : memref<32x8x1xf32, #tpu.memory_space<vmem>>, vector<1x8x1xf32>
    %get3A_25 = vector.shape_cast %get3A_24 : vector<1x8x1xf32> to vector<8x1xf32>
    %div3A_26 = vector.broadcast %get3A_0 : f32 to vector<8x1xf32>
    %div3A_27 = arith.divf %get3A_20, %div3A_26 : vector<8x1xf32>
    %sub3A_28 = arith.subf %div3A_27, %broadcast_in_dim3A : vector<8x1xf32>
    %exp3A_29 = math.exp %sub3A_28 : vector<8x1xf32>
    %div3A_30 = arith.divf %exp3A_29, %broadcast_in_dim3A_15 : vector<8x1xf32>
    %get3A_31 = arith.index_cast %arg0 : i32 to index
    %get3A_32 = arith.constant 0 : index
    %get3A_33 = arith.constant 0 : index
    %get3A_34 = vector.load %arg9[%get3A_31, %get3A_32, %get3A_33] : memref<32x8x1xf32, #tpu.memory_space<vmem>>, vector<1x8x1xf32>
    %get3A_35 = vector.shape_cast %get3A_34 : vector<1x8x1xf32> to vector<8x1xf32>
    %div3A_36 = arith.divf %div3A_30, %get3A_25 : vector<8x1xf32>
    %ge3A = arith.cmpf oge, %div3A_36, %get3A_35 : vector<8x1xf32>
    %iota3A = tpu.iota {dimensions = array<i32: 0>} : vector<8x1xi32>
    %jit3A = arith.constant 8 : i32
    %broadcast_in_dim3A_37 = vector.broadcast %jit3A : i32 to vector<8x1xi32>
    %select_n3A = arith.select %ge3A, %broadcast_in_dim3A_37, %iota3A : vector<8x1xi1>, vector<8x1xi32>
    %reduce_min3A = vector.shape_cast %select_n3A : vector<8x1xi32> to vector<1x8x1xi32>
    %reduce_min3A_38 = arith.constant dense<2147483647> : vector<1xi32>
    %reduce_min3A_39 = vector.multi_reduction <minsi>, %reduce_min3A, %reduce_min3A_38 [1, 2] : vector<1x8x1xi32> to vector<1xi32>
    %reduce_min3A_40 = vector.shape_cast %reduce_min3A_39 : vector<1xi32> to vector<1x1x1xi32>
    %reduce_min3A_41 = vector.extract %reduce_min3A_40[0, 0, 0] : i32 from vector<1x1x1xi32>
    %min3A = arith.constant 7 : i32
    %min3A_42 = arith.minsi %reduce_min3A_41, %min3A : i32
    %mul3A = arith.constant 8 : i32
    %mul3A_43 = arith.muli %min3A_42, %mul3A : i32
    %dma_start3A = arith.constant 0 : i32
    %dma_start3A_44 = tpu.memref_slice %arg5[%arg0, %mul3A_43, %dma_start3A] : memref<32x64x12500xf32, #tpu.memory_space<hbm>> -> memref<1x8x12500xf32, #tpu.memory_space<hbm>>
    %dma_start3A_45 = tpu.memref_squeeze %dma_start3A_44 : memref<1x8x12500xf32, #tpu.memory_space<hbm>> -> memref<8x12500xf32, #tpu.memory_space<hbm>>
    tpu.enqueue_dma source(%dma_start3A_45 : memref<8x12500xf32, #tpu.memory_space<hbm>>) target(%arg11 : memref<8x12500xf32, #tpu.memory_space<vmem>>) target_semaphore(%arg12 : memref<!tpu.dma_semaphore, #tpu.memory_space<semaphore_mem>>)
    %eq3A = vector.broadcast %min3A_42 : i32 to vector<8x1xi32>
    %eq3A_46 = arith.cmpi eq, %iota3A, %eq3A : vector<8x1xi32>
    %jit3A_47 = arith.constant 0.000000e+00 : f32
    %broadcast_in_dim3A_48 = vector.broadcast %jit3A_47 : f32 to vector<8x1xf32>
    %select_n3A_49 = arith.select %eq3A_46, %broadcast_in_dim3A, %broadcast_in_dim3A_48 : vector<8x1xi1>, vector<8x1xf32>
    %reduce_sum3A_50 = vector.shape_cast %select_n3A_49 : vector<8x1xf32> to vector<1x8x1xf32>
    %reduce_sum3A_51 = arith.constant dense<0.000000e+00> : vector<1xf32>
    %reduce_sum3A_52 = vector.multi_reduction <add>, %reduce_sum3A_50, %reduce_sum3A_51 [1, 2] : vector<1x8x1xf32> to vector<1xf32>
    %reduce_sum3A_53 = vector.shape_cast %reduce_sum3A_52 : vector<1xf32> to vector<1x1x1xf32>
    %reduce_sum3A_54 = vector.extract %reduce_sum3A_53[0, 0, 0] : f32 from vector<1x1x1xf32>
    %eq3A_55 = vector.broadcast %min3A_42 : i32 to vector<8x1xi32>
    %eq3A_56 = arith.cmpi eq, %iota3A, %eq3A_55 : vector<8x1xi32>
    %jit3A_57 = arith.constant 0.000000e+00 : f32
    %broadcast_in_dim3A_58 = vector.broadcast %jit3A_57 : f32 to vector<8x1xf32>
    %select_n3A_59 = arith.select %eq3A_56, %broadcast_in_dim3A_15, %broadcast_in_dim3A_58 : vector<8x1xi1>, vector<8x1xf32>
    %reduce_sum3A_60 = vector.shape_cast %select_n3A_59 : vector<8x1xf32> to vector<1x8x1xf32>
    %reduce_sum3A_61 = arith.constant dense<0.000000e+00> : vector<1xf32>
    %reduce_sum3A_62 = vector.multi_reduction <add>, %reduce_sum3A_60, %reduce_sum3A_61 [1, 2] : vector<1x8x1xf32> to vector<1xf32>
    %reduce_sum3A_63 = vector.shape_cast %reduce_sum3A_62 : vector<1xf32> to vector<1x1x1xf32>
    %reduce_sum3A_64 = vector.extract %reduce_sum3A_63[0, 0, 0] : f32 from vector<1x1x1xf32>
    %mul3A_65 = arith.constant 8 : i32
    %mul3A_66 = arith.muli %min3A_42, %mul3A_65 : i32
    %get3A_67 = arith.constant 0 : index
    %get3A_68 = arith.index_cast %mul3A_66 : i32 to index
    %get3A_69 = arith.constant 0 : index
    %get3A_70 = vector.load %arg4[%get3A_67, %get3A_68, %get3A_69] : memref<1x64x12500xf32, #tpu.memory_space<vmem>>, vector<1x8x12500xf32>
    %get3A_71 = vector.shape_cast %get3A_70 : vector<1x8x12500xf32> to vector<8x12500xf32>
    %div3A_72 = vector.broadcast %get3A_0 : f32 to vector<8x12500xf32>
    %div3A_73 = arith.divf %get3A_71, %div3A_72 : vector<8x12500xf32>
    %sub3A_74 = vector.broadcast %reduce_sum3A_54 : f32 to vector<8x12500xf32>
    %sub3A_75 = arith.subf %div3A_73, %sub3A_74 : vector<8x12500xf32>
    %exp3A_76 = math.exp %sub3A_75 : vector<8x12500xf32>
    %dma_wait3A = arith.constant 0 : i32
    %dma_wait3A_77 = tpu.memref_slice %arg5[%arg0, %mul3A_43, %dma_wait3A] : memref<32x64x12500xf32, #tpu.memory_space<hbm>> -> memref<1x8x12500xf32, #tpu.memory_space<hbm>>
    %dma_wait3A_78 = tpu.memref_squeeze %dma_wait3A_77 : memref<1x8x12500xf32, #tpu.memory_space<hbm>> -> memref<8x12500xf32, #tpu.memory_space<hbm>>
    tpu.wait_dma2 semaphore(%arg12 : memref<!tpu.dma_semaphore, #tpu.memory_space<semaphore_mem>>) src(%dma_wait3A_78 : memref<8x12500xf32, #tpu.memory_space<hbm>>) dst(%arg11 : memref<8x12500xf32, #tpu.memory_space<vmem>>)
    %get3A_79 = arith.constant 0 : index
    %get3A_80 = arith.constant 0 : index
    %get3A_81 = vector.load %arg11[%get3A_79, %get3A_80] : memref<8x12500xf32, #tpu.memory_space<vmem>>, vector<8x12500xf32>
    %div3A_82 = vector.broadcast %reduce_sum3A_64 : f32 to vector<8x12500xf32>
    %div3A_83 = arith.divf %exp3A_76, %div3A_82 : vector<8x12500xf32>
    %sub3A_84 = arith.subf %div3A_83, %get3A_81 : vector<8x12500xf32>
    %max3A = arith.constant 1.17549435E-38 : f32
    %max3A_85 = vector.broadcast %max3A : f32 to vector<8x12500xf32>
    %max3A_86 = arith.maximumf %sub3A_84, %max3A_85 : vector<8x12500xf32>
    %reduce_sum3A_87 = vector.shape_cast %max3A_86 : vector<8x12500xf32> to vector<1x8x12500xf32>
    %reduce_sum3A_88 = arith.constant dense<0.000000e+00> : vector<1xf32>
    %reduce_sum3A_89 = vector.multi_reduction <add>, %reduce_sum3A_87, %reduce_sum3A_88 [1, 2] : vector<1x8x12500xf32> to vector<1xf32>
    %reduce_sum3A_90 = vector.shape_cast %reduce_sum3A_89 : vector<1xf32> to vector<1x1x1xf32>
    %reduce_sum3A_91 = vector.extract %reduce_sum3A_90[0, 0, 0] : f32 from vector<1x1x1xf32>
    %get3A_92 = arith.constant 0 : index
    %get3A_93 = arith.constant 0 : index
    %get3A_94 = arith.constant 0 : index
    %get3A_95 = vector.load %arg6[%get3A_92, %get3A_93, %get3A_94] : memref<1x8x12500xf32, #tpu.memory_space<vmem>>, vector<1x8x12500xf32>
    %get3A_96 = vector.shape_cast %get3A_95 : vector<1x8x12500xf32> to vector<8x12500xf32>
    %div3A_97 = vector.broadcast %reduce_sum3A_91 : f32 to vector<8x12500xf32>
    %div3A_98 = arith.divf %max3A_86, %div3A_97 : vector<8x12500xf32>
    %div3A_99 = arith.divf %div3A_98, %get3A_96 : vector<8x12500xf32>
    %reduce_max3A_100 = vector.shape_cast %div3A_99 : vector<8x12500xf32> to vector<1x8x12500xf32>
    %reduce_max3A_101 = arith.constant dense<0xFF800000> : vector<1xf32>
    %reduce_max3A_102 = vector.multi_reduction <maximumf>, %reduce_max3A_100, %reduce_max3A_101 [1, 2] : vector<1x8x12500xf32> to vector<1xf32>
    %reduce_max3A_103 = vector.shape_cast %reduce_max3A_102 : vector<1xf32> to vector<1x1x1xf32>
    %reduce_max3A_104 = vector.extract %reduce_max3A_103[0, 0, 0] : f32 from vector<1x1x1xf32>
    %iota3A_105 = tpu.iota {dimensions = array<i32: 0>} : vector<8x12500xi32>
    %mul3A_106 = arith.constant 12500 : i32
    %mul3A_107 = vector.broadcast %mul3A_106 : i32 to vector<8x12500xi32>
    %mul3A_108 = arith.muli %iota3A_105, %mul3A_107 : vector<8x12500xi32>
    %iota3A_109 = tpu.iota {dimensions = array<i32: 1>} : vector<8x12500xi32>
    %add3A = arith.addi %mul3A_108, %iota3A_109 : vector<8x12500xi32>
    %eq3A_110 = vector.broadcast %reduce_max3A_104 : f32 to vector<8x12500xf32>
    %eq3A_111 = arith.cmpf oeq, %div3A_99, %eq3A_110 : vector<8x12500xf32>
    %jit3A_112 = arith.constant 100000 : i32
    %broadcast_in_dim3A_113 = vector.broadcast %jit3A_112 : i32 to vector<8x12500xi32>
    %select_n3A_114 = arith.select %eq3A_111, %add3A, %broadcast_in_dim3A_113 : vector<8x12500xi1>, vector<8x12500xi32>
    %reduce_min3A_115 = vector.shape_cast %select_n3A_114 : vector<8x12500xi32> to vector<1x8x12500xi32>
    %reduce_min3A_116 = arith.constant dense<2147483647> : vector<1xi32>
    %reduce_min3A_117 = vector.multi_reduction <minsi>, %reduce_min3A_115, %reduce_min3A_116 [1, 2] : vector<1x8x12500xi32> to vector<1xi32>
    %reduce_min3A_118 = vector.shape_cast %reduce_min3A_117 : vector<1xi32> to vector<1x1x1xi32>
    %reduce_min3A_119 = vector.extract %reduce_min3A_118[0, 0, 0] : i32 from vector<1x1x1xi32>
    %lt3A = arith.constant 8 : i32
    %lt3A_120 = arith.cmpi slt, %reduce_min3A_41, %lt3A : i32
    %get3A_121 = arith.index_cast %arg0 : i32 to index
    %get3A_122 = memref.load %arg3[%get3A_121] : memref<32xi32, #tpu.memory_space<smem>>
    %select_n3A_123 = arith.select %lt3A_120, %reduce_min3A_119, %get3A_122 : i32
    %get3A_124 = arith.index_cast %arg0 : i32 to index
    %get3A_125 = arith.constant 0 : index
    %get3A_126 = memref.load %arg2[%get3A_124, %get3A_125] : memref<32x8xi32, #tpu.memory_space<smem>>
    %gt3A = arith.constant 0 : i32
    %gt3A_127 = arith.cmpi sgt, %reduce_min3A_41, %gt3A : i32
    %eq3A_128 = arith.constant 0 : i32
    %eq3A_129 = arith.cmpi eq, %reduce_min3A_41, %eq3A_128 : i32
    %jit3A_130 = arith.constant -1 : i32
    %select_n3A_131 = arith.select %eq3A_129, %select_n3A_123, %jit3A_130 : i32
    %select_n3A_132 = arith.select %gt3A_127, %get3A_126, %select_n3A_131 : i32
    %swap3A = arith.index_cast %arg0 : i32 to index
    %swap3A_133 = arith.constant 0 : index
    %swap3A_134 = memref.load %arg10[%swap3A, %swap3A_133] : memref<32x9xi32, #tpu.memory_space<smem>>
    memref.store %select_n3A_132, %arg10[%swap3A, %swap3A_133] : memref<32x9xi32, #tpu.memory_space<smem>>
    %get3A_135 = arith.index_cast %arg0 : i32 to index
    %get3A_136 = arith.constant 1 : index
    %get3A_137 = memref.load %arg2[%get3A_135, %get3A_136] : memref<32x8xi32, #tpu.memory_space<smem>>
    %gt3A_138 = arith.constant 1 : i32
    %gt3A_139 = arith.cmpi sgt, %reduce_min3A_41, %gt3A_138 : i32
    %eq3A_140 = arith.constant 1 : i32
    %eq3A_141 = arith.cmpi eq, %reduce_min3A_41, %eq3A_140 : i32
    %jit3A_142 = arith.constant -1 : i32
    %select_n3A_143 = arith.select %eq3A_141, %select_n3A_123, %jit3A_142 : i32
    %select_n3A_144 = arith.select %gt3A_139, %get3A_137, %select_n3A_143 : i32
    %swap3A_145 = arith.index_cast %arg0 : i32 to index
    %swap3A_146 = arith.constant 1 : index
    %swap3A_147 = memref.load %arg10[%swap3A_145, %swap3A_146] : memref<32x9xi32, #tpu.memory_space<smem>>
    memref.store %select_n3A_144, %arg10[%swap3A_145, %swap3A_146] : memref<32x9xi32, #tpu.memory_space<smem>>
    %get3A_148 = arith.index_cast %arg0 : i32 to index
    %get3A_149 = arith.constant 2 : index
    %get3A_150 = memref.load %arg2[%get3A_148, %get3A_149] : memref<32x8xi32, #tpu.memory_space<smem>>
    %gt3A_151 = arith.constant 2 : i32
    %gt3A_152 = arith.cmpi sgt, %reduce_min3A_41, %gt3A_151 : i32
    %eq3A_153 = arith.constant 2 : i32
    %eq3A_154 = arith.cmpi eq, %reduce_min3A_41, %eq3A_153 : i32
    %jit3A_155 = arith.constant -1 : i32
    %select_n3A_156 = arith.select %eq3A_154, %select_n3A_123, %jit3A_155 : i32
    %select_n3A_157 = arith.select %gt3A_152, %get3A_150, %select_n3A_156 : i32
    %swap3A_158 = arith.index_cast %arg0 : i32 to index
    %swap3A_159 = arith.constant 2 : index
    %swap3A_160 = memref.load %arg10[%swap3A_158, %swap3A_159] : memref<32x9xi32, #tpu.memory_space<smem>>
    memref.store %select_n3A_157, %arg10[%swap3A_158, %swap3A_159] : memref<32x9xi32, #tpu.memory_space<smem>>
    %get3A_161 = arith.index_cast %arg0 : i32 to index
    %get3A_162 = arith.constant 3 : index
    %get3A_163 = memref.load %arg2[%get3A_161, %get3A_162] : memref<32x8xi32, #tpu.memory_space<smem>>
    %gt3A_164 = arith.constant 3 : i32
    %gt3A_165 = arith.cmpi sgt, %reduce_min3A_41, %gt3A_164 : i32
    %eq3A_166 = arith.constant 3 : i32
    %eq3A_167 = arith.cmpi eq, %reduce_min3A_41, %eq3A_166 : i32
    %jit3A_168 = arith.constant -1 : i32
    %select_n3A_169 = arith.select %eq3A_167, %select_n3A_123, %jit3A_168 : i32
    %select_n3A_170 = arith.select %gt3A_165, %get3A_163, %select_n3A_169 : i32
    %swap3A_171 = arith.index_cast %arg0 : i32 to index
    %swap3A_172 = arith.constant 3 : index
    %swap3A_173 = memref.load %arg10[%swap3A_171, %swap3A_172] : memref<32x9xi32, #tpu.memory_space<smem>>
    memref.store %select_n3A_170, %arg10[%swap3A_171, %swap3A_172] : memref<32x9xi32, #tpu.memory_space<smem>>
    %get3A_174 = arith.index_cast %arg0 : i32 to index
    %get3A_175 = arith.constant 4 : index
    %get3A_176 = memref.load %arg2[%get3A_174, %get3A_175] : memref<32x8xi32, #tpu.memory_space<smem>>
    %gt3A_177 = arith.constant 4 : i32
    %gt3A_178 = arith.cmpi sgt, %reduce_min3A_41, %gt3A_177 : i32
    %eq3A_179 = arith.constant 4 : i32
    %eq3A_180 = arith.cmpi eq, %reduce_min3A_41, %eq3A_179 : i32
    %jit3A_181 = arith.constant -1 : i32
    %select_n3A_182 = arith.select %eq3A_180, %select_n3A_123, %jit3A_181 : i32
    %select_n3A_183 = arith.select %gt3A_178, %get3A_176, %select_n3A_182 : i32
    %swap3A_184 = arith.index_cast %arg0 : i32 to index
    %swap3A_185 = arith.constant 4 : index
    %swap3A_186 = memref.load %arg10[%swap3A_184, %swap3A_185] : memref<32x9xi32, #tpu.memory_space<smem>>
    memref.store %select_n3A_183, %arg10[%swap3A_184, %swap3A_185] : memref<32x9xi32, #tpu.memory_space<smem>>
    %get3A_187 = arith.index_cast %arg0 : i32 to index
    %get3A_188 = arith.constant 5 : index
    %get3A_189 = memref.load %arg2[%get3A_187, %get3A_188] : memref<32x8xi32, #tpu.memory_space<smem>>
    %gt3A_190 = arith.constant 5 : i32
    %gt3A_191 = arith.cmpi sgt, %reduce_min3A_41, %gt3A_190 : i32
    %eq3A_192 = arith.constant 5 : i32
    %eq3A_193 = arith.cmpi eq, %reduce_min3A_41, %eq3A_192 : i32
    %jit3A_194 = arith.constant -1 : i32
    %select_n3A_195 = arith.select %eq3A_193, %select_n3A_123, %jit3A_194 : i32
    %select_n3A_196 = arith.select %gt3A_191, %get3A_189, %select_n3A_195 : i32
    %swap3A_197 = arith.index_cast %arg0 : i32 to index
    %swap3A_198 = arith.constant 5 : index
    %swap3A_199 = memref.load %arg10[%swap3A_197, %swap3A_198] : memref<32x9xi32, #tpu.memory_space<smem>>
    memref.store %select_n3A_196, %arg10[%swap3A_197, %swap3A_198] : memref<32x9xi32, #tpu.memory_space<smem>>
    %get3A_200 = arith.index_cast %arg0 : i32 to index
    %get3A_201 = arith.constant 6 : index
    %get3A_202 = memref.load %arg2[%get3A_200, %get3A_201] : memref<32x8xi32, #tpu.memory_space<smem>>
    %gt3A_203 = arith.constant 6 : i32
    %gt3A_204 = arith.cmpi sgt, %reduce_min3A_41, %gt3A_203 : i32
    %eq3A_205 = arith.constant 6 : i32
    %eq3A_206 = arith.cmpi eq, %reduce_min3A_41, %eq3A_205 : i32
    %jit3A_207 = arith.constant -1 : i32
    %select_n3A_208 = arith.select %eq3A_206, %select_n3A_123, %jit3A_207 : i32
    %select_n3A_209 = arith.select %gt3A_204, %get3A_202, %select_n3A_208 : i32
    %swap3A_210 = arith.index_cast %arg0 : i32 to index
    %swap3A_211 = arith.constant 6 : index
    %swap3A_212 = memref.load %arg10[%swap3A_210, %swap3A_211] : memref<32x9xi32, #tpu.memory_space<smem>>
    memref.store %select_n3A_209, %arg10[%swap3A_210, %swap3A_211] : memref<32x9xi32, #tpu.memory_space<smem>>
    %get3A_213 = arith.index_cast %arg0 : i32 to index
    %get3A_214 = arith.constant 7 : index
    %get3A_215 = memref.load %arg2[%get3A_213, %get3A_214] : memref<32x8xi32, #tpu.memory_space<smem>>
    %gt3A_216 = arith.constant 7 : i32
    %gt3A_217 = arith.cmpi sgt, %reduce_min3A_41, %gt3A_216 : i32
    %eq3A_218 = arith.constant 7 : i32
    %eq3A_219 = arith.cmpi eq, %reduce_min3A_41, %eq3A_218 : i32
    %jit3A_220 = arith.constant -1 : i32
    %select_n3A_221 = arith.select %eq3A_219, %select_n3A_123, %jit3A_220 : i32
    %select_n3A_222 = arith.select %gt3A_217, %get3A_215, %select_n3A_221 : i32
    %swap3A_223 = arith.index_cast %arg0 : i32 to index
    %swap3A_224 = arith.constant 7 : index
    %swap3A_225 = memref.load %arg10[%swap3A_223, %swap3A_224] : memref<32x9xi32, #tpu.memory_space<smem>>
    memref.store %select_n3A_222, %arg10[%swap3A_223, %swap3A_224] : memref<32x9xi32, #tpu.memory_space<smem>>
    %gt3A_226 = arith.constant 8 : i32
    %gt3A_227 = arith.cmpi sgt, %reduce_min3A_41, %gt3A_226 : i32
    %eq3A_228 = arith.constant 8 : i32
    %eq3A_229 = arith.cmpi eq, %reduce_min3A_41, %eq3A_228 : i32
    %jit3A_230 = arith.constant -1 : i32
    %select_n3A_231 = arith.select %eq3A_229, %select_n3A_123, %jit3A_230 : i32
    %jit3A_232 = arith.constant 0 : i32
    %select_n3A_233 = arith.select %gt3A_227, %jit3A_232, %select_n3A_231 : i32
    %swap3A_234 = arith.index_cast %arg0 : i32 to index
    %swap3A_235 = arith.constant 8 : index
    %swap3A_236 = memref.load %arg10[%swap3A_234, %swap3A_235] : memref<32x9xi32, #tpu.memory_space<smem>>
    memref.store %select_n3A_233, %arg10[%swap3A_234, %swap3A_235] : memref<32x9xi32, #tpu.memory_space<smem>>
    return
  }
  func.func @transform_0(%arg0: i32) -> i32 {
    %c0_i32 = arith.constant 0 : i32
    %c0_i32_0 = arith.constant 0 : i32
    return %c0_i32 : i32
  }
  func.func @transform_1(%arg0: i32) -> (i32, i32) {
    %c0_i32 = arith.constant 0 : i32
    %c0_i32_0 = arith.constant 0 : i32
    %c0_i32_1 = arith.constant 0 : i32
    return %c0_i32, %c0_i32_0 : i32, i32
  }
  func.func @transform_2(%arg0: i32) -> i32 {
    %c0_i32 = arith.constant 0 : i32
    %c0_i32_0 = arith.constant 0 : i32
    return %c0_i32 : i32
  }
  func.func @transform_3(%arg0: i32) -> (i32, i32, i32) {
    %c0_i32 = arith.constant 0 : i32
    %c0_i32_0 = arith.constant 0 : i32
    %c0_i32_1 = arith.constant 0 : i32
    return %arg0, %c0_i32, %c0_i32_0 : i32, i32, i32
  }
  func.func @transform_5(%arg0: i32) -> (i32, i32, i32) {
    %c0_i32 = arith.constant 0 : i32
    %c0_i32_0 = arith.constant 0 : i32
    %c0_i32_1 = arith.constant 0 : i32
    return %arg0, %c0_i32, %c0_i32_0 : i32, i32, i32
  }
  func.func @transform_6(%arg0: i32) -> (i32, i32, i32) {
    %c0_i32 = arith.constant 0 : i32
    %c0_i32_0 = arith.constant 0 : i32
    %c0_i32_1 = arith.constant 0 : i32
    %c0_i32_2 = arith.constant 0 : i32
    return %c0_i32, %c0_i32_0, %c0_i32_1 : i32, i32, i32
  }
  func.func @transform_7(%arg0: i32) -> (i32, i32, i32) {
    %c0_i32 = arith.constant 0 : i32
    %c0_i32_0 = arith.constant 0 : i32
    %c0_i32_1 = arith.constant 0 : i32
    %c0_i32_2 = arith.constant 0 : i32
    return %c0_i32, %c0_i32_0, %c0_i32_1 : i32, i32, i32
  }
  func.func @transform_8(%arg0: i32) -> (i32, i32, i32) {
    %c0_i32 = arith.constant 0 : i32
    %c0_i32_0 = arith.constant 0 : i32
    %c0_i32_1 = arith.constant 0 : i32
    %c0_i32_2 = arith.constant 0 : i32
    return %c0_i32, %c0_i32_0, %c0_i32_1 : i32, i32, i32
  }
  func.func @transform_9(%arg0: i32) -> (i32, i32) {
    %c0_i32 = arith.constant 0 : i32
    %c0_i32_0 = arith.constant 0 : i32
    %c0_i32_1 = arith.constant 0 : i32
    return %c0_i32, %c0_i32_0 : i32, i32
  }
}

</mosaic_0001>

<sc_bundles>
// kernel: kernel.4.cloned.1.call-start
scs
__scs_entry_jumppad:
0x0: {  	(pc) =	sbr.rel $0x88, $3  }
0x1: {  	(tag) =	ssettag $0x0;
	lr =	simm.s32 $0x1  }
0x2: {  	[smem:$0x3F9A] =	sst lr;
	_ =	strace $0xD0000000  }
0x3: {  	_ = 	snop  }
0x4: {  	_ = 	snop  }
0x5: {  	_ = 	snop  }
0x6: {  	_ = 	snop  }
0x7: {  	_ = 	snop  }
__scs_overlays_trampoline_lowered:
0x8: {  	[smem:$0x3FA9] =	sst s0  }
0x9: {  	[smem:$0x3FAA] =	sst s1  }
0xa: {  	[smem:$0x3FAB] =	sst s2  }
0xb: {  	[smem:$0x3FAC] =	sst s3  }
0xc: {  	[smem:$0x3FAD] =	sst s4  }
0xd: {  	[smem:$0x3FAE] =	sst s5  }
0xe: {  	[smem:$0x3FAF] =	sst s6  }
0xf: {  	[smem:$0x3FB0] =	sst s7  }
0x10: {  	[smem:$0x3FB1] =	sst s8  }
0x11: {  	[smem:$0x3FB2] =	sst s9;
	s0 =	simm.s32 @!p0 $0x0  }
0x12: {  	s1 =	sld [smem:$0x3F98];
	s0 =	simm.s32 @p0 $0x1  }
0x13: {  	[smem:$0x3FB3] =	sst s0;
	s0 =	simm.s32 @!p1 $0x0  }
0x14: {  	s2 =	sld [smem:$0x3F97];
	s0 =	simm.s32 @p1 $0x1  }
0x15: {  	[smem:$0x3FB4] =	sst s0;
	s0 =	simm.s32 @!p2 $0x0  }
0x16: {  	s3 =	sld [smem:$0x3FDB];
	s0 =	simm.s32 @p2 $0x1  }
0x17: {  	s4 =	simm.s32 $0x1BF5;
	[smem:$0x3FB6] =	sst s0  }
0x18: {  	s0 =	sld [smem:$0x3F99];
	_ =	swait.ge [sflag:s4], $0x0  }
0x19: {  	s7 =	sld [smem:$0x3F9A]  }
0x1a: {  	s8 =	sadd.s32 $0xFFFFE003, lr  }
0x1b: {  	s9 =	sadd.s32 $0xFFFFFEF7, lr;
	s5 =	simm.s32 $0xFFFFFFFF;
	p2 =	slt.u32 s8, $0xFFFFF086  }
0x1c: {  	p1 =	slt.u32 s9, $0xF7A;
	s5 =	simm.s32 @!p2 $0x0  }
0x1d: {  	s5 =	simm.s32 @p1 $0x1;
	p0 =	seq.s32 s7, s2  }
0x1e: {  	s7 =	smul.u32 @!p0 $0xF7A, s2;
	p2 =	seq.s32 @!p0 s5, $0x0  }
0x1f: {  	s9 =	smul.u32 $0xF7A, s1;
	s8 =	simm.s32 @!p0 $0x1BF5;
	p2 =	por !p2, p0  }
0x20: {  	[sflag:s8] =	ssyncset.s32 @!p0 $0xFFFFF086;
	s6 =	sadd.s32 @!p0 s3, s7;
	s7 =	simm.s32 @!p0 $0x108  }
0x21: {  	s3 =	sadd.s32 s3, s9;
	s6 =	sadd.s32 @!p0 $0x88, s6;
	s7 =	simm.s32 @p2 $0x1082  }
0x22: {  	[simem:s7], [sflag:s8] =	dma.local @!p0 [hbm:s6], $0xF7A  }
0x23: {  	s9 =	sor.u32 $0xD0000000, s2;
	s6 =	simm.s32 $0x108;
	_ =	swait.ge @!p0 [sflag:s8], $0x0  }
0x24: {  	s3 =	sadd.s32 $0x88, s3;
	s6 =	simm.s32 @!p1 $0x1082;
	[sflag:s4] =	ssyncset.s32 $0xFFFFF086  }
0x25: {  	[simem:s6], [sflag:s4] =	dma.local [hbm:s3], $0xF7A  }
0x26: {  	[smem:$0x3F9A] =	sst s1;
	(tag) =	ssettag s2;
	_ =	strace s9  }
0x27: {  	s1 =	sld [smem:$0x3FAA]  }
0x28: {  	s2 =	sld [smem:$0x3FAB]  }
0x29: {  	s4 =	sld [smem:$0x3FAD]  }
0x2a: {  	p0 =	seq.s32 s5, $0x0;
	s5 =	sld [smem:$0x3FAE]  }
0x2b: {  	s6 =	sld [smem:$0x3FAF]  }
0x2c: {  	s7 =	sld [smem:$0x3FB0]  }
0x2d: {  	s3 =	simm.s32 $0x108;
	s8 =	sld [smem:$0x3FB1]  }
0x2e: {  	s3 =	simm.s32 @!p0 $0x1082;
	s9 =	sld [smem:$0x3FB2]  }
0x2f: {  	lr =	sadd.s32 s0, s3;
	s0 =	sld [smem:$0x3FA9]  }
0x30: {  	s3 =	sld [smem:$0x3FAC]  }
0x31: {  	[smem:$0x3FB5] =	sst s10  }
0x32: {  	s10 =	sld [smem:$0x3FB3];
	_ =	sdelay $0x3  }
0x33: {  	p0 =	seq.s32 s10, $0x1;
	s10 =	sld [smem:$0x3FB5];
	_ =	sdelay $0x3  }
0x34: {  	[smem:$0x3FB5] =	sst s10  }
0x35: {  	s10 =	sld [smem:$0x3FB4];
	_ =	sdelay $0x3  }
0x36: {  	p1 =	seq.s32 s10, $0x1;
	s10 =	sld [smem:$0x3FB5];
	_ =	sdelay $0x3  }
0x37: {  	[smem:$0x3FB5] =	sst s10  }
0x38: {  	s10 =	sld [smem:$0x3FB6]  }
0x39: {  	_ = 	snop;
	(pc) =	sbr.ind lr, $3  }
0x3a: {  	_ = 	snop  }
0x3b: {  	_ = 	snop  }
0x3c: {  	p2 =	seq.s32 s10, $0x1;
	s10 =	sld [smem:$0x3FB5]  }
0x3d: {  	_ =	shalt  }
0x3e: {  	_ =	shalt  }
0x3f: {  	_ =	shalt  }
0x40: {  	_ =	shalt  }
0x41: {  	_ =	shalt  }
0x42: {  	_ =	shalt  }
0x43: {  	_ =	shalt  }
0x44: {  	_ =	shalt  }
0x45: {  	_ =	shalt  }
0x46: {  	_ =	shalt  }
0x47: {  	_ =	shalt  }
0x48: {  	_ =	shalt  }
0x49: {  	_ =	shalt  }
0x4a: {  	_ =	shalt  }
0x4b: {  	_ =	shalt  }
0x4c: {  	_ =	shalt  }
0x4d: {  	_ =	shalt  }
0x4e: {  	_ =	shalt  }
0x4f: {  	_ =	shalt  }
0x50: {  	_ =	shalt  }
0x51: {  	_ =	shalt  }
0x52: {  	_ =	shalt  }
0x53: {  	_ =	shalt  }
0x54: {  	_ =	shalt  }
0x55: {  	_ =	shalt  }
0x56: {  	_ =	shalt  }
0x57: {  	_ =	shalt  }
0x58: {  	_ =	shalt  }
0x59: {  	_ =	shalt  }
0x5a: {  	_ =	shalt  }
0x5b: {  	_ =	shalt  }
0x5c: {  	_ =	shalt  }
0x5d: {  	_ =	shalt  }
0x5e: {  	_ =	shalt  }
0x5f: {  	_ =	shalt  }
0x60: {  	_ =	shalt  }
0x61: {  	_ =	shalt  }
0x62: {  	_ =	shalt  }
0x63: {  	_ =	shalt  }
0x64: {  	_ =	shalt  }
0x65: {  	_ =	shalt  }
0x66: {  	_ =	shalt  }
0x67: {  	_ =	shalt  }
0x68: {  	_ =	shalt  }
0x69: {  	_ =	shalt  }
0x6a: {  	_ =	shalt  }
0x6b: {  	_ =	shalt  }
0x6c: {  	_ =	shalt  }
0x6d: {  	_ =	shalt  }
0x6e: {  	_ =	shalt  }
0x6f: {  	_ =	shalt  }
0x70: {  	_ =	shalt  }
0x71: {  	_ =	shalt  }
0x72: {  	_ =	shalt  }
0x73: {  	_ =	shalt  }
0x74: {  	_ =	shalt  }
0x75: {  	_ =	shalt  }
0x76: {  	_ =	shalt  }
0x77: {  	_ =	shalt  }
0x78: {  	_ =	shalt  }
0x79: {  	_ =	shalt  }
0x7a: {  	_ =	shalt  }
0x7b: {  	_ =	shalt  }
0x7c: {  	_ =	shalt  }
0x7d: {  	_ =	shalt  }
0x7e: {  	_ =	shalt  }
0x7f: {  	_ =	shalt  }
0x80: {  	_ =	shalt  }
0x81: {  	_ =	shalt  }
0x82: {  	_ =	shalt  }
0x83: {  	_ =	shalt  }
0x84: {  	_ =	shalt  }
0x85: {  	_ =	shalt  }
0x86: {  	_ =	shalt  }
0x87: {  	_ =	shalt  }
.Lfunc_end0:
.L_simem_size_0:
called_computation_lowered:
.L_overlay_start_0:
0x88: {  	s2 =	sld [smem:$0x3FD9]  }
0x89: {  	s3 =	sld [smem:$0x3FFE];
	_ =	sdelay $0x1  }
0x8a: {  	s1 =	srdreg.scid  }
0x8b: {  	s0 =	sand.u32 $0x1, s1  }
0x8c: {  	s17 =	sshll.u32 s0, $0xA;
	s2 =	sadd.s32 s3, s2  }
0x8d: {  	s2 =	sadd.s32 s2, s17  }
0x8e: {  	[smem:$0x3FC1] =	sst s2  }
0x8f: {  	_ = 	snop  }
0x90: {  	s2 =	sld [smem:$0x3FD0];
	(tm) =	ssettm $0x1  }
0x91: {  	s18 =	sld [smem:$0x3FFB];
	_ =	sdelay $0x3  }
0x92: {  	_ =	strace s18  }
0x93: {  	s3 =	sld [smem:$0x3FFC];
	_ =	sdelay $0x3  }
0x94: {  	_ =	strace s3  }
0x95: {  	s3 =	sld [smem:$0x3FFD];
	_ =	sdelay $0x3  }
0x96: {  	_ =	strace s3  }
0x97: {  	_ =	strace $0x8FFFFFFF  }
0x98: {  	s19 =	sld [smem:$0x3FDB];
	_ =	sdelay $0x1  }
0x99: {  	s4 =	simm.s32 $_scs_section_size  }
0x9a: {  	s5 =	simm.s32 $_size__tile_overlayer_lowered;
	s6 =	simm.s32 $_tile_overlayer_lowered  }
0x9b: {  	s22 =	simm.s32 $0x1BFF;
	s21 =	sshll.u32 s6, $0x1;
	s3 =	sadd.s32 s4, s19  }
0x9c: {  	s7 =	simm.s32 $0x0;
	s20 =	sshll.u32 s5, $0x1;
	s5 =	sadd.s32 s21, s3  }
0x9d: {  	[timem:s7], [sflag:s22] =	dma.local [hbm:s5], s20  }
0x9e: {  	_ =	swait.ge [sflag:s22], s20  }
0x9f: {  	s4 =	ssub.s32 $0x0, s20;
	[sflag:s22] =	ssyncset.done $0x0  }
0xa0: {  	[sflag:s22] =	ssyncadd.s32 s4;
	_ =	sdelay $0x1  }
0xa1: {  	s23 =	simm.s32 $0x1B8B  }
0xa2: {  	_ =	swait.ge [sflag:s23], $0x1  }
0xa3: {  	[sflag:s23] =	ssyncset.done $0x0  }
0xa4: {  	s25 =	simm.s32 $0x1B8E;
	s24 =	sld [smem:$0x3FFE];
	[sflag:s23] =	ssyncadd.s32 $0xFFFFFFFF  }
0xa5: {  	s26 =	simm.s32 $execute0_lowered;
	[smem:$0x3FD2] =	sst s25  }
0xa6: {  	s5 =	sshll.u32 s26, $0x1;
	_ =	strace $0x80000046;
	[dreg:$0x1] =	wrdreg $0xFFFFFFFF  }
0xa7: {  	s28 =	simm.s32 $_size_execute0_lowered;
	s3 =	sadd.s32 s3, s5;
	[dreg:$0x0] =	wrdreg $0x0  }
0xa8: {  	s5 =	sshll.u32 s28, $0x1;
	[dreg:$0x2] =	wrdreg s3  }
0xa9: {  	[dreg:$0x3] =	wrdreg s5  }
0xaa: {  	[dreg:$0x4] =	wrdreg $0xC0  }
0xab: {  	_ =	task [dreg:s7], $0x5FFFF  }
0xac: {  	[dreg:$0x1] =	wrdreg $0xFFFFFFFF  }
0xad: {  	[dreg:$0x0] =	wrdreg $0x60  }
0xae: {  	[dreg:$0x2] =	wrdreg s2  }
0xaf: {  	[dreg:$0x3] =	wrdreg s24  }
0xb0: {  	[dreg:$0x4] =	wrdreg $0x9  }
0xb1: {  	_ =	task.clear_ibuf [dreg:s7], $0x5FFFF;
	_ =	strace $0x90000046  }
0xb2: {  	s29 =	simm.s32 $0x9;
	_ =	strace $0x80000048  }
0xb3: {  	_ =	swait.ge [sflag:s29], $0x1  }
0xb4: {  	[sflag:s29] =	ssyncadd.s32 $0xFFFFFFFF  }
0xb5: {  	_ =	strace $0x90000048  }
0xb6: {  	_ =	sfence  }
0xb7: {  	s30 =	sld [smem:$0x0];
	_ =	sdelay $0x2  }
0xb8: {  	s31 =	sshll.u32 s1, $0xD;
	s1 =	sshrl.u32 s1, $0x2  }
0xb9: {  	s3 =	sand.u32 $0x4000, s31;
	s1 =	sadd.s32 s1, s30  }
0xba: {  	s0 =	sor.u32 s3, s0;
	s1 =	sshll.u32 s1, $0x11  }
0xbb: {  	s0 =	sor.u32 s1, s0  }
0xbc: {  	s0 =	sadd.s32 $0x8F2B, s0  }
0xbd: {  	[sflag:s0] =	ssyncadd.remote.s32 $0x1  }
0xbe: {  	_ =	sfence.sel $0xFFFF  }
0xbf: {  	[dreg:$0x0] =	wrdreg $0xFFFFFFFF;
	(pc) =	sbr.abs _section_cstart, $3  }
0xc0: {  	[dreg:$0x1] =	wrdreg $0xFFFFFFFF  }
0xc1: {  	_ =	task.clear_ibuf [dreg:s7], $0x2FFFF;
	_ =	strace $0x9FFFFFFF  }
0xc2: {  	(tm) =	ssettm $0x7FFFFFFF  }
0xc3: {  	_ =	shalt  }
tec
execute0_lowered:
.L_overlay_start_1:
0x0: {  	(tag) =	ssettag $0x1  }
0x1: {  	s1 =	srdreg.scid;
	s0 =	stileid.u32  }
0x2: {  	s3 =	rddreg [dreg:$0x0];
	s6 =	sand.u32 $0x1, s1;
	s30 =	sshll.u32 s0, $0x5  }
0x3: {  	s10 =	rddreg [dreg:$0x1];
	s4 =	sshll.u32 s6, $0x4;
	s5 =	sand.u32 $0xE0, s30  }
0x4: {  	s2 =	simm.s32 $0x0;
	s1 =	rddreg [dreg:$0x2];
	s5 =	sor.u32 s4, s5  }
0x5: {  	[smem:$0x7FF] =	sst s2;
	s11 =	sshrl.u32 s5, $0x3  }
0x6: {  	_ =	strace $0x80000047;
	s4 =	sadd.s32 s3, s11;
	s3 =	simm.s32 $0x2  }
0x7: {  	[tilespmem:s2], [sflag:$0x2] =	stream.linear.gather [hbm4b:s4+s2], $0x10, $0x38;
	[tilespmem:$0x180] =	vst v63  }
0x8: {  	_ =	swait.ge [sflag:s3], $0x10  }
0x9: {  	[sflag:s3] =	ssyncset.done $0x0  }
0xa: {  	v0 =	vmov s5;
	[sflag:s3] =	ssyncadd.s32 $0xFFFFFFF0  }
0xb: {  	v0 =	vmul.u32 $0x186A0, v0;
	v1 =	vld [tilespmem:$0x0]  }
0xc: {  	v2 =	vlaneseq.u32  }
0xd: {  	s8 =	simm.s32 $0x100;
	s9 =	simm.s32 $0x1;
	v2 =	vmul.u32 $0x186A0, v2;
	v0 =	vbroadcast v0, $0x0  }
0xe: {  	s7 =	sadd.s32 $0x310400, s10;
	s12 =	sadd.s32 $0x92AE00, s10;
	s13 =	ssub.s32 $0x2, s6  }
0xf: {  	p0 =	slt.u32 s0, $0x8;
	s6 =	simm.s32 $0x10;
	s14 =	sshrl.u32 s13, $0x1;
	v0 =	vadd.s32 v2, v0  }
0x10: {  	s5 =	sadd.s32 $0x61DA00, s10;
	s10 =	sadd.s32 $0x92B000, s10;
	s13 =	ssub.s32 s13, s14;
	v1 =	vadd.s32 v1, v0  }
0x11: {  	s5 =	smov.u32 @p0 s7;
	s7 =	simm.s32 $0x80;
	s31 =	smax.u32 s13, $0x1;
	[tilespmem:$0x80] =	vst v1  }
0x12: {  	[tilespmem:s8], [sflag:$0x1] =	stream.indirect.gather [hbm4b:s5+s6], $0x1, s7, s6, $0xb8;
	[tilespmem:$0x180] =	vst v63  }
0x13: {  	s10 =	smov.u32 @p0 s12;
	p0 =	sne.s32 s31, $0x1;
	_ =	swait.ge [sflag:s9], $0x10  }
.Ltmp0:
0x14: {  	[sflag:s9] =	ssyncset.done $0x0;
	(pc) =	sbr.rel @!p0 .LBB2_2-.Ltmp0, $4  }
0x15: {  	s10 =	sadd.s32 s10, s11;
	[sflag:s9] =	ssyncadd.s32 $0xFFFFFFF0  }
0x16: {  	[hbm4b:s10+s2] =	stream.linear.scatter [tilespmem:s8], [sflag:$0x2], $0x10, $0x38;
	[tilespmem:$0x180] =	vst v63  }
0x17: {  	_ =	swait.ge [sflag:s3], $0x10  }
0x18: {  	s11 =	sadd.s32 $0xFFFFFFFF, s31;
	[sflag:s3] =	ssyncset.done $0x0  }
.LBB2_1:
0x19: {  	p0 =	sne.s32 s11, $0x1;
	s11 =	sadd.s32 $0xFFFFFFFF, s11;
	[sflag:s3] =	ssyncadd.s32 $0xFFFFFFF0  }
0x1a: {  	[tilespmem:s2], [sflag:$0x2] =	stream.linear.gather [hbm4b:s4+s2], $0x10, $0x38;
	[tilespmem:$0x180] =	vst v63  }
0x1b: {  	_ =	swait.ge [sflag:s3], $0x10  }
0x1c: {  	[sflag:s3] =	ssyncset.done $0x0  }
0x1d: {  	[sflag:s3] =	ssyncadd.s32 $0xFFFFFFF0  }
0x1e: {  	v1 =	vld [tilespmem:$0x0];
	_ =	sdelay $0x4  }
0x1f: {  	v1 =	vadd.s32 v1, v0  }
0x20: {  	[tilespmem:$0x80] =	vst v1  }
0x21: {  	[tilespmem:s8], [sflag:$0x1] =	stream.indirect.gather [hbm4b:s5+s6], $0x1, s7, s6, $0xb8;
	[tilespmem:$0x180] =	vst v63  }
0x22: {  	_ =	swait.ge [sflag:s9], $0x10  }
.Ltmp1:
0x23: {  	[sflag:s9] =	ssyncset.done $0x0;
	(pc) =	sbr.rel @p0 .LBB2_1-.Ltmp1, $4  }
0x24: {  	[sflag:s9] =	ssyncadd.s32 $0xFFFFFFF0  }
0x25: {  	[hbm4b:s10+s2] =	stream.linear.scatter [tilespmem:s8], [sflag:$0x2], $0x10, $0x38;
	[tilespmem:$0x180] =	vst v63  }
0x26: {  	_ =	swait.ge [sflag:s3], $0x10  }
0x27: {  	[sflag:s3] =	ssyncset.done $0x0  }
.LBB2_2:
0x28: {  	[sflag:s3] =	ssyncadd.s32 $0xFFFFFFF0  }
0x29: {  	_ =	sfence.sel $0x180000  }
0x2a: {  	[bflag:$0x0] =	sbarrier.arrive $0xFFFF  }
0x2b: {  	p0 =	sne.s32 s0, $0x0;
	_ =	strace $0x90000047  }
0x2c: {  	s0 =	sadd.s32 @!p0 $0x100000, s1;
	[bflag:$0x2] =	sbarrier.arrive $0xFFFF  }
0x2d: {  	[sflag:s0] =	ssyncadd.tile.s32 @!p0 $0x1;
	_ =	shalt  }
.Lfunc_end2:
_tile_overlayer_lowered:
.L_overlay_start_2:
0x2e: {  	(tag) =	ssettag $0x2  }
0x2f: {  	s0 =	rddreg [dreg:$0x0];
	s2 =	stileid.u32  }
0x30: {  	s1 =	rddreg [dreg:$0x1];
	p0 =	sne.s32 s2, $0x0  }
0x31: {  	s3 =	rddreg [dreg:$0x2];
	[bflag:$0x3] =	sbarrier.arrive $0xFFFF;
	s2 =	simm.s32 @!p0 $0x1C02  }
0x32: {  	[timem:s3], [sflag:s2] =	dma.local @!p0 [hbm:s0], s1  }
0x33: {  	s0 =	simm.s32 @!p0 $0x2  }
0x34: {  	_ =	swait.ge @!p0 [sflag:s0], s1  }
0x35: {  	s1 =	ssub.s32 @!p0 $0x0, s1;
	[sflag:s0] =	ssyncset.done @!p0 $0x0  }
0x36: {  	[sflag:s0] =	ssyncadd.s32 @!p0 s1  }
0x37: {  	[bflag:$0x3] =	sbarrier.arrive $0xFFFF  }
0x38: {  	_ =	shalt  }

</sc_bundles>
